<compile_context>
chip_gen: v7x
topology: tpu7x:2x2x1
jax: 0.10.2.dev20260603
libtpu: 0.0.44.dev20260713+nightly
codegen_flags: <defaults>
</compile_context>

<pallas_src>
import functools

import jax
import jax.numpy as jnp
from jax.experimental import pallas as pl
from jax.experimental.pallas import tpu as pltpu
from jax.experimental.pallas import tpu_sc as plsc

_USE_TEXT_QUERY = True
_USE_TEXT_CANDS = True
_N_CANDS = 5
_TEXT_QUESTION = 0
_TEXT_EMBEDDING = 1
_VISUAL_EMBEDDING = 3
_PREFIX_ROWS = 16


@functools.lru_cache(maxsize=None)
def _make_sc_prefix(D: int):
    mesh = plsc.ScalarSubcoreMesh(axis_name="c", num_cores=1)
    n_text = (1 if _USE_TEXT_QUERY else 0) + (
        _N_CANDS if _USE_TEXT_CANDS else 0
    )
    ids = [_TEXT_QUESTION] + [_TEXT_EMBEDDING] * (n_text - 1)
    ids += [_VISUAL_EMBEDDING] * (_PREFIX_ROWS - len(ids))

    @functools.partial(
        pl.kernel,
        mesh=mesh,
        out_type=jax.ShapeDtypeStruct((_PREFIX_ROWS, D), jnp.float32),
        scratch_types=[pltpu.SemaphoreType.DMA],
    )
    def k(table_hbm, out_hbm, sem):
        copies = [
            pltpu.async_copy(
                table_hbm.at[pl.ds(t, 1)], out_hbm.at[pl.ds(r, 1)], sem
            )
            for r, t in enumerate(ids)
        ]
        for c in copies:
            c.wait()

    return k


@functools.lru_cache(maxsize=None)
def _make_tc_fill(L: int, D: int):
    BLK = 1024
    assert L % BLK == 0

    def body(table_ref, out_ref):
        row = table_ref[_VISUAL_EMBEDDING, :]
        out_ref[...] = jnp.broadcast_to(row[None, None, :], (BLK, 1, D))

    return pl.pallas_call(
        body,
        grid=(L // BLK,),
        in_specs=[pl.BlockSpec((5, D), lambda i: (0, 0))],
        out_specs=pl.BlockSpec((BLK, 1, D), lambda i: (i, 0, 0)),
        out_shape=jax.ShapeDtypeStruct((L, 1, D), jnp.float32),
    )


@functools.lru_cache(maxsize=None)
def _make_tc_patch(L: int, D: int):

    def body(full_ref, prefix_ref, out_ref):
        out_ref[...] = prefix_ref[...][:, None, :]

    return pl.pallas_call(
        body,
        grid=(1,),
        in_specs=[
            pl.BlockSpec((_PREFIX_ROWS, 1, D), lambda i: (0, 0, 0)),
            pl.BlockSpec((_PREFIX_ROWS, D), lambda i: (0, 0)),
        ],
        out_specs=pl.BlockSpec((_PREFIX_ROWS, 1, D), lambda i: (0, 0, 0)),
        out_shape=jax.ShapeDtypeStruct((L, 1, D), jnp.float32),
        input_output_aliases={0: 0},
    )


def kernel(x, table):
    L, N, D = x.shape
    full = _make_tc_fill(L, D)(table)
    prefix = _make_sc_prefix(D)(table)
    return _make_tc_patch(L, D)(full, prefix)

# --- scband reference (transcript-rebuilt; emitter-appended) ---
"""Pipeline reference for scband-modality-embeddings-4406636446123 (READ-ONLY COPY).

The authoritative reference and input builder live on the scoring server;
editing this copy changes nothing except your own understanding.
"""

import jax, jax.numpy as jnp
import numpy as np

D_MODEL = 1024
N_CANDS = 5
USE_TEXT_QUERY = True
USE_TEXT_CANDS = True
NUM_EMBEDDINGS = 5  # len(ModalityEmbeddingsID)
N_TEXT_FEATS = (1 if USE_TEXT_QUERY else 0) + (N_CANDS if USE_TEXT_CANDS else 0)

TEXT_QUESTION = 0
TEXT_EMBEDDING = 1
VISUAL_EMBEDDING = 3


def _build_class_ids(L):
    ids = []
    if USE_TEXT_QUERY:
        ids.append(TEXT_QUESTION)
    if USE_TEXT_CANDS:
        ids.extend([TEXT_EMBEDDING] * N_CANDS)
    n_frames = L - N_TEXT_FEATS
    ids.extend([VISUAL_EMBEDDING] * n_frames)
    return jnp.asarray(np.array(ids, dtype=np.int32))[:, None]  # (L, 1)


def setup_inputs(seed: int = 0) -> dict:
    key = jax.random.key(seed)
    k1, k2 = jax.random.split(key)
    x = jax.random.normal(k1, (2048, 4, 1024), dtype=jnp.float32)
    table = jax.random.normal(k2, (NUM_EMBEDDINGS, D_MODEL), dtype=jnp.float32) * 0.02
    return {"x": x, "table": table}


def reference(x, table):
    # x: (L, N, D); returns modality embeddings of shape (L, 1, D)
    L, N, D = x.shape
    class_ids = _build_class_ids(L)  # (L, 1) int32
    out = jnp.take(table, class_ids, axis=0)  # (L, 1, D)
    return out

if __name__ == "__main__":
    import jax
    _d = setup_inputs()
    print(jax.jit(kernel)(*tuple(_d.values())))

</pallas_src>

<mosaic_0001>
#map = affine_map<(d0) -> (0, 0)>
module attributes {stable_mosaic.version = 14 : i64} {
  func.func @k(%arg0: i32, %arg1: memref<5x1024xf32, #tpu.memory_space<hbm>>, %arg2: memref<16x1024xf32, #tpu.memory_space<hbm>>, %arg3: memref<!tpu.dma_semaphore, #tpu.memory_space<semaphore_mem>>) attributes {dimension_semantics = [#tpu.dimension_semantics<core_parallel>], iteration_bounds = array<i64: 1>, scalar_prefetch = 0 : i64, scratch_operands = 1 : i64, tpu.core_type = #tpu.core_type<sc_scalar_subcore>, window_params = [{transform_indices = #map}, {transform_indices = #map}]} {
    %dma_start3A = arith.constant 0 : i32
    %dma_start3A_0 = arith.constant 0 : i32
    %dma_start3A_1 = tpu.memref_slice %arg2[%dma_start3A, %dma_start3A_0] : memref<16x1024xf32, #tpu.memory_space<hbm>> -> memref<1x1024xf32, #tpu.memory_space<hbm>>
    %dma_start3A_2 = arith.constant 0 : i32
    %dma_start3A_3 = arith.constant 0 : i32
    %dma_start3A_4 = tpu.memref_slice %arg1[%dma_start3A_2, %dma_start3A_3] : memref<5x1024xf32, #tpu.memory_space<hbm>> -> memref<1x1024xf32, #tpu.memory_space<hbm>>
    tpu.enqueue_dma source(%dma_start3A_4 : memref<1x1024xf32, #tpu.memory_space<hbm>>) target(%dma_start3A_1 : memref<1x1024xf32, #tpu.memory_space<hbm>>) target_semaphore(%arg3 : memref<!tpu.dma_semaphore, #tpu.memory_space<semaphore_mem>>)
    %dma_start3A_5 = arith.constant 1 : i32
    %dma_start3A_6 = arith.constant 0 : i32
    %dma_start3A_7 = tpu.memref_slice %arg2[%dma_start3A_5, %dma_start3A_6] : memref<16x1024xf32, #tpu.memory_space<hbm>> -> memref<1x1024xf32, #tpu.memory_space<hbm>>
    %dma_start3A_8 = arith.constant 1 : i32
    %dma_start3A_9 = arith.constant 0 : i32
    %dma_start3A_10 = tpu.memref_slice %arg1[%dma_start3A_8, %dma_start3A_9] : memref<5x1024xf32, #tpu.memory_space<hbm>> -> memref<1x1024xf32, #tpu.memory_space<hbm>>
    tpu.enqueue_dma source(%dma_start3A_10 : memref<1x1024xf32, #tpu.memory_space<hbm>>) target(%dma_start3A_7 : memref<1x1024xf32, #tpu.memory_space<hbm>>) target_semaphore(%arg3 : memref<!tpu.dma_semaphore, #tpu.memory_space<semaphore_mem>>)
    %dma_start3A_11 = arith.constant 2 : i32
    %dma_start3A_12 = arith.constant 0 : i32
    %dma_start3A_13 = tpu.memref_slice %arg2[%dma_start3A_11, %dma_start3A_12] : memref<16x1024xf32, #tpu.memory_space<hbm>> -> memref<1x1024xf32, #tpu.memory_space<hbm>>
    %dma_start3A_14 = arith.constant 1 : i32
    %dma_start3A_15 = arith.constant 0 : i32
    %dma_start3A_16 = tpu.memref_slice %arg1[%dma_start3A_14, %dma_start3A_15] : memref<5x1024xf32, #tpu.memory_space<hbm>> -> memref<1x1024xf32, #tpu.memory_space<hbm>>
    tpu.enqueue_dma source(%dma_start3A_16 : memref<1x1024xf32, #tpu.memory_space<hbm>>) target(%dma_start3A_13 : memref<1x1024xf32, #tpu.memory_space<hbm>>) target_semaphore(%arg3 : memref<!tpu.dma_semaphore, #tpu.memory_space<semaphore_mem>>)
    %dma_start3A_17 = arith.constant 3 : i32
    %dma_start3A_18 = arith.constant 0 : i32
    %dma_start3A_19 = tpu.memref_slice %arg2[%dma_start3A_17, %dma_start3A_18] : memref<16x1024xf32, #tpu.memory_space<hbm>> -> memref<1x1024xf32, #tpu.memory_space<hbm>>
    %dma_start3A_20 = arith.constant 1 : i32
    %dma_start3A_21 = arith.constant 0 : i32
    %dma_start3A_22 = tpu.memref_slice %arg1[%dma_start3A_20, %dma_start3A_21] : memref<5x1024xf32, #tpu.memory_space<hbm>> -> memref<1x1024xf32, #tpu.memory_space<hbm>>
    tpu.enqueue_dma source(%dma_start3A_22 : memref<1x1024xf32, #tpu.memory_space<hbm>>) target(%dma_start3A_19 : memref<1x1024xf32, #tpu.memory_space<hbm>>) target_semaphore(%arg3 : memref<!tpu.dma_semaphore, #tpu.memory_space<semaphore_mem>>)
    %dma_start3A_23 = arith.constant 4 : i32
    %dma_start3A_24 = arith.constant 0 : i32
    %dma_start3A_25 = tpu.memref_slice %arg2[%dma_start3A_23, %dma_start3A_24] : memref<16x1024xf32, #tpu.memory_space<hbm>> -> memref<1x1024xf32, #tpu.memory_space<hbm>>
    %dma_start3A_26 = arith.constant 1 : i32
    %dma_start3A_27 = arith.constant 0 : i32
    %dma_start3A_28 = tpu.memref_slice %arg1[%dma_start3A_26, %dma_start3A_27] : memref<5x1024xf32, #tpu.memory_space<hbm>> -> memref<1x1024xf32, #tpu.memory_space<hbm>>
    tpu.enqueue_dma source(%dma_start3A_28 : memref<1x1024xf32, #tpu.memory_space<hbm>>) target(%dma_start3A_25 : memref<1x1024xf32, #tpu.memory_space<hbm>>) target_semaphore(%arg3 : memref<!tpu.dma_semaphore, #tpu.memory_space<semaphore_mem>>)
    %dma_start3A_29 = arith.constant 5 : i32
    %dma_start3A_30 = arith.constant 0 : i32
    %dma_start3A_31 = tpu.memref_slice %arg2[%dma_start3A_29, %dma_start3A_30] : memref<16x1024xf32, #tpu.memory_space<hbm>> -> memref<1x1024xf32, #tpu.memory_space<hbm>>
    %dma_start3A_32 = arith.constant 1 : i32
    %dma_start3A_33 = arith.constant 0 : i32
    %dma_start3A_34 = tpu.memref_slice %arg1[%dma_start3A_32, %dma_start3A_33] : memref<5x1024xf32, #tpu.memory_space<hbm>> -> memref<1x1024xf32, #tpu.memory_space<hbm>>
    tpu.enqueue_dma source(%dma_start3A_34 : memref<1x1024xf32, #tpu.memory_space<hbm>>) target(%dma_start3A_31 : memref<1x1024xf32, #tpu.memory_space<hbm>>) target_semaphore(%arg3 : memref<!tpu.dma_semaphore, #tpu.memory_space<semaphore_mem>>)
    %dma_start3A_35 = arith.constant 6 : i32
    %dma_start3A_36 = arith.constant 0 : i32
    %dma_start3A_37 = tpu.memref_slice %arg2[%dma_start3A_35, %dma_start3A_36] : memref<16x1024xf32, #tpu.memory_space<hbm>> -> memref<1x1024xf32, #tpu.memory_space<hbm>>
    %dma_start3A_38 = arith.constant 3 : i32
    %dma_start3A_39 = arith.constant 0 : i32
    %dma_start3A_40 = tpu.memref_slice %arg1[%dma_start3A_38, %dma_start3A_39] : memref<5x1024xf32, #tpu.memory_space<hbm>> -> memref<1x1024xf32, #tpu.memory_space<hbm>>
    tpu.enqueue_dma source(%dma_start3A_40 : memref<1x1024xf32, #tpu.memory_space<hbm>>) target(%dma_start3A_37 : memref<1x1024xf32, #tpu.memory_space<hbm>>) target_semaphore(%arg3 : memref<!tpu.dma_semaphore, #tpu.memory_space<semaphore_mem>>)
    %dma_start3A_41 = arith.constant 7 : i32
    %dma_start3A_42 = arith.constant 0 : i32
    %dma_start3A_43 = tpu.memref_slice %arg2[%dma_start3A_41, %dma_start3A_42] : memref<16x1024xf32, #tpu.memory_space<hbm>> -> memref<1x1024xf32, #tpu.memory_space<hbm>>
    %dma_start3A_44 = arith.constant 3 : i32
    %dma_start3A_45 = arith.constant 0 : i32
    %dma_start3A_46 = tpu.memref_slice %arg1[%dma_start3A_44, %dma_start3A_45] : memref<5x1024xf32, #tpu.memory_space<hbm>> -> memref<1x1024xf32, #tpu.memory_space<hbm>>
    tpu.enqueue_dma source(%dma_start3A_46 : memref<1x1024xf32, #tpu.memory_space<hbm>>) target(%dma_start3A_43 : memref<1x1024xf32, #tpu.memory_space<hbm>>) target_semaphore(%arg3 : memref<!tpu.dma_semaphore, #tpu.memory_space<semaphore_mem>>)
    %dma_start3A_47 = arith.constant 8 : i32
    %dma_start3A_48 = arith.constant 0 : i32
    %dma_start3A_49 = tpu.memref_slice %arg2[%dma_start3A_47, %dma_start3A_48] : memref<16x1024xf32, #tpu.memory_space<hbm>> -> memref<1x1024xf32, #tpu.memory_space<hbm>>
    %dma_start3A_50 = arith.constant 3 : i32
    %dma_start3A_51 = arith.constant 0 : i32
    %dma_start3A_52 = tpu.memref_slice %arg1[%dma_start3A_50, %dma_start3A_51] : memref<5x1024xf32, #tpu.memory_space<hbm>> -> memref<1x1024xf32, #tpu.memory_space<hbm>>
    tpu.enqueue_dma source(%dma_start3A_52 : memref<1x1024xf32, #tpu.memory_space<hbm>>) target(%dma_start3A_49 : memref<1x1024xf32, #tpu.memory_space<hbm>>) target_semaphore(%arg3 : memref<!tpu.dma_semaphore, #tpu.memory_space<semaphore_mem>>)
    %dma_start3A_53 = arith.constant 9 : i32
    %dma_start3A_54 = arith.constant 0 : i32
    %dma_start3A_55 = tpu.memref_slice %arg2[%dma_start3A_53, %dma_start3A_54] : memref<16x1024xf32, #tpu.memory_space<hbm>> -> memref<1x1024xf32, #tpu.memory_space<hbm>>
    %dma_start3A_56 = arith.constant 3 : i32
    %dma_start3A_57 = arith.constant 0 : i32
    %dma_start3A_58 = tpu.memref_slice %arg1[%dma_start3A_56, %dma_start3A_57] : memref<5x1024xf32, #tpu.memory_space<hbm>> -> memref<1x1024xf32, #tpu.memory_space<hbm>>
    tpu.enqueue_dma source(%dma_start3A_58 : memref<1x1024xf32, #tpu.memory_space<hbm>>) target(%dma_start3A_55 : memref<1x1024xf32, #tpu.memory_space<hbm>>) target_semaphore(%arg3 : memref<!tpu.dma_semaphore, #tpu.memory_space<semaphore_mem>>)
    %dma_start3A_59 = arith.constant 10 : i32
    %dma_start3A_60 = arith.constant 0 : i32
    %dma_start3A_61 = tpu.memref_slice %arg2[%dma_start3A_59, %dma_start3A_60] : memref<16x1024xf32, #tpu.memory_space<hbm>> -> memref<1x1024xf32, #tpu.memory_space<hbm>>
    %dma_start3A_62 = arith.constant 3 : i32
    %dma_start3A_63 = arith.constant 0 : i32
    %dma_start3A_64 = tpu.memref_slice %arg1[%dma_start3A_62, %dma_start3A_63] : memref<5x1024xf32, #tpu.memory_space<hbm>> -> memref<1x1024xf32, #tpu.memory_space<hbm>>
    tpu.enqueue_dma source(%dma_start3A_64 : memref<1x1024xf32, #tpu.memory_space<hbm>>) target(%dma_start3A_61 : memref<1x1024xf32, #tpu.memory_space<hbm>>) target_semaphore(%arg3 : memref<!tpu.dma_semaphore, #tpu.memory_space<semaphore_mem>>)
    %dma_start3A_65 = arith.constant 11 : i32
    %dma_start3A_66 = arith.constant 0 : i32
    %dma_start3A_67 = tpu.memref_slice %arg2[%dma_start3A_65, %dma_start3A_66] : memref<16x1024xf32, #tpu.memory_space<hbm>> -> memref<1x1024xf32, #tpu.memory_space<hbm>>
    %dma_start3A_68 = arith.constant 3 : i32
    %dma_start3A_69 = arith.constant 0 : i32
    %dma_start3A_70 = tpu.memref_slice %arg1[%dma_start3A_68, %dma_start3A_69] : memref<5x1024xf32, #tpu.memory_space<hbm>> -> memref<1x1024xf32, #tpu.memory_space<hbm>>
    tpu.enqueue_dma source(%dma_start3A_70 : memref<1x1024xf32, #tpu.memory_space<hbm>>) target(%dma_start3A_67 : memref<1x1024xf32, #tpu.memory_space<hbm>>) target_semaphore(%arg3 : memref<!tpu.dma_semaphore, #tpu.memory_space<semaphore_mem>>)
    %dma_start3A_71 = arith.constant 12 : i32
    %dma_start3A_72 = arith.constant 0 : i32
    %dma_start3A_73 = tpu.memref_slice %arg2[%dma_start3A_71, %dma_start3A_72] : memref<16x1024xf32, #tpu.memory_space<hbm>> -> memref<1x1024xf32, #tpu.memory_space<hbm>>
    %dma_start3A_74 = arith.constant 3 : i32
    %dma_start3A_75 = arith.constant 0 : i32
    %dma_start3A_76 = tpu.memref_slice %arg1[%dma_start3A_74, %dma_start3A_75] : memref<5x1024xf32, #tpu.memory_space<hbm>> -> memref<1x1024xf32, #tpu.memory_space<hbm>>
    tpu.enqueue_dma source(%dma_start3A_76 : memref<1x1024xf32, #tpu.memory_space<hbm>>) target(%dma_start3A_73 : memref<1x1024xf32, #tpu.memory_space<hbm>>) target_semaphore(%arg3 : memref<!tpu.dma_semaphore, #tpu.memory_space<semaphore_mem>>)
    %dma_start3A_77 = arith.constant 13 : i32
    %dma_start3A_78 = arith.constant 0 : i32
    %dma_start3A_79 = tpu.memref_slice %arg2[%dma_start3A_77, %dma_start3A_78] : memref<16x1024xf32, #tpu.memory_space<hbm>> -> memref<1x1024xf32, #tpu.memory_space<hbm>>
    %dma_start3A_80 = arith.constant 3 : i32
    %dma_start3A_81 = arith.constant 0 : i32
    %dma_start3A_82 = tpu.memref_slice %arg1[%dma_start3A_80, %dma_start3A_81] : memref<5x1024xf32, #tpu.memory_space<hbm>> -> memref<1x1024xf32, #tpu.memory_space<hbm>>
    tpu.enqueue_dma source(%dma_start3A_82 : memref<1x1024xf32, #tpu.memory_space<hbm>>) target(%dma_start3A_79 : memref<1x1024xf32, #tpu.memory_space<hbm>>) target_semaphore(%arg3 : memref<!tpu.dma_semaphore, #tpu.memory_space<semaphore_mem>>)
    %dma_start3A_83 = arith.constant 14 : i32
    %dma_start3A_84 = arith.constant 0 : i32
    %dma_start3A_85 = tpu.memref_slice %arg2[%dma_start3A_83, %dma_start3A_84] : memref<16x1024xf32, #tpu.memory_space<hbm>> -> memref<1x1024xf32, #tpu.memory_space<hbm>>
    %dma_start3A_86 = arith.constant 3 : i32
    %dma_start3A_87 = arith.constant 0 : i32
    %dma_start3A_88 = tpu.memref_slice %arg1[%dma_start3A_86, %dma_start3A_87] : memref<5x1024xf32, #tpu.memory_space<hbm>> -> memref<1x1024xf32, #tpu.memory_space<hbm>>
    tpu.enqueue_dma source(%dma_start3A_88 : memref<1x1024xf32, #tpu.memory_space<hbm>>) target(%dma_start3A_85 : memref<1x1024xf32, #tpu.memory_space<hbm>>) target_semaphore(%arg3 : memref<!tpu.dma_semaphore, #tpu.memory_space<semaphore_mem>>)
    %dma_start3A_89 = arith.constant 15 : i32
    %dma_start3A_90 = arith.constant 0 : i32
    %dma_start3A_91 = tpu.memref_slice %arg2[%dma_start3A_89, %dma_start3A_90] : memref<16x1024xf32, #tpu.memory_space<hbm>> -> memref<1x1024xf32, #tpu.memory_space<hbm>>
    %dma_start3A_92 = arith.constant 3 : i32
    %dma_start3A_93 = arith.constant 0 : i32
    %dma_start3A_94 = tpu.memref_slice %arg1[%dma_start3A_92, %dma_start3A_93] : memref<5x1024xf32, #tpu.memory_space<hbm>> -> memref<1x1024xf32, #tpu.memory_space<hbm>>
    tpu.enqueue_dma source(%dma_start3A_94 : memref<1x1024xf32, #tpu.memory_space<hbm>>) target(%dma_start3A_91 : memref<1x1024xf32, #tpu.memory_space<hbm>>) target_semaphore(%arg3 : memref<!tpu.dma_semaphore, #tpu.memory_space<semaphore_mem>>)
    %dma_wait3A = arith.constant 0 : i32
    %dma_wait3A_95 = arith.constant 0 : i32
    %dma_wait3A_96 = tpu.memref_slice %arg2[%dma_wait3A, %dma_wait3A_95] : memref<16x1024xf32, #tpu.memory_space<hbm>> -> memref<1x1024xf32, #tpu.memory_space<hbm>>
    %dma_wait3A_97 = arith.constant 0 : i32
    %dma_wait3A_98 = arith.constant 0 : i32
    %dma_wait3A_99 = tpu.memref_slice %arg1[%dma_wait3A_97, %dma_wait3A_98] : memref<5x1024xf32, #tpu.memory_space<hbm>> -> memref<1x1024xf32, #tpu.memory_space<hbm>>
    tpu.wait_dma2 semaphore(%arg3 : memref<!tpu.dma_semaphore, #tpu.memory_space<semaphore_mem>>) src(%dma_wait3A_99 : memref<1x1024xf32, #tpu.memory_space<hbm>>) dst(%dma_wait3A_96 : memref<1x1024xf32, #tpu.memory_space<hbm>>)
    %dma_wait3A_100 = arith.constant 1 : i32
    %dma_wait3A_101 = arith.constant 0 : i32
    %dma_wait3A_102 = tpu.memref_slice %arg2[%dma_wait3A_100, %dma_wait3A_101] : memref<16x1024xf32, #tpu.memory_space<hbm>> -> memref<1x1024xf32, #tpu.memory_space<hbm>>
    %dma_wait3A_103 = arith.constant 1 : i32
    %dma_wait3A_104 = arith.constant 0 : i32
    %dma_wait3A_105 = tpu.memref_slice %arg1[%dma_wait3A_103, %dma_wait3A_104] : memref<5x1024xf32, #tpu.memory_space<hbm>> -> memref<1x1024xf32, #tpu.memory_space<hbm>>
    tpu.wait_dma2 semaphore(%arg3 : memref<!tpu.dma_semaphore, #tpu.memory_space<semaphore_mem>>) src(%dma_wait3A_105 : memref<1x1024xf32, #tpu.memory_space<hbm>>) dst(%dma_wait3A_102 : memref<1x1024xf32, #tpu.memory_space<hbm>>)
    %dma_wait3A_106 = arith.constant 2 : i32
    %dma_wait3A_107 = arith.constant 0 : i32
    %dma_wait3A_108 = tpu.memref_slice %arg2[%dma_wait3A_106, %dma_wait3A_107] : memref<16x1024xf32, #tpu.memory_space<hbm>> -> memref<1x1024xf32, #tpu.memory_space<hbm>>
    %dma_wait3A_109 = arith.constant 1 : i32
    %dma_wait3A_110 = arith.constant 0 : i32
    %dma_wait3A_111 = tpu.memref_slice %arg1[%dma_wait3A_109, %dma_wait3A_110] : memref<5x1024xf32, #tpu.memory_space<hbm>> -> memref<1x1024xf32, #tpu.memory_space<hbm>>
    tpu.wait_dma2 semaphore(%arg3 : memref<!tpu.dma_semaphore, #tpu.memory_space<semaphore_mem>>) src(%dma_wait3A_111 : memref<1x1024xf32, #tpu.memory_space<hbm>>) dst(%dma_wait3A_108 : memref<1x1024xf32, #tpu.memory_space<hbm>>)
    %dma_wait3A_112 = arith.constant 3 : i32
    %dma_wait3A_113 = arith.constant 0 : i32
    %dma_wait3A_114 = tpu.memref_slice %arg2[%dma_wait3A_112, %dma_wait3A_113] : memref<16x1024xf32, #tpu.memory_space<hbm>> -> memref<1x1024xf32, #tpu.memory_space<hbm>>
    %dma_wait3A_115 = arith.constant 1 : i32
    %dma_wait3A_116 = arith.constant 0 : i32
    %dma_wait3A_117 = tpu.memref_slice %arg1[%dma_wait3A_115, %dma_wait3A_116] : memref<5x1024xf32, #tpu.memory_space<hbm>> -> memref<1x1024xf32, #tpu.memory_space<hbm>>
    tpu.wait_dma2 semaphore(%arg3 : memref<!tpu.dma_semaphore, #tpu.memory_space<semaphore_mem>>) src(%dma_wait3A_117 : memref<1x1024xf32, #tpu.memory_space<hbm>>) dst(%dma_wait3A_114 : memref<1x1024xf32, #tpu.memory_space<hbm>>)
    %dma_wait3A_118 = arith.constant 4 : i32
    %dma_wait3A_119 = arith.constant 0 : i32
    %dma_wait3A_120 = tpu.memref_slice %arg2[%dma_wait3A_118, %dma_wait3A_119] : memref<16x1024xf32, #tpu.memory_space<hbm>> -> memref<1x1024xf32, #tpu.memory_space<hbm>>
    %dma_wait3A_121 = arith.constant 1 : i32
    %dma_wait3A_122 = arith.constant 0 : i32
    %dma_wait3A_123 = tpu.memref_slice %arg1[%dma_wait3A_121, %dma_wait3A_122] : memref<5x1024xf32, #tpu.memory_space<hbm>> -> memref<1x1024xf32, #tpu.memory_space<hbm>>
    tpu.wait_dma2 semaphore(%arg3 : memref<!tpu.dma_semaphore, #tpu.memory_space<semaphore_mem>>) src(%dma_wait3A_123 : memref<1x1024xf32, #tpu.memory_space<hbm>>) dst(%dma_wait3A_120 : memref<1x1024xf32, #tpu.memory_space<hbm>>)
    %dma_wait3A_124 = arith.constant 5 : i32
    %dma_wait3A_125 = arith.constant 0 : i32
    %dma_wait3A_126 = tpu.memref_slice %arg2[%dma_wait3A_124, %dma_wait3A_125] : memref<16x1024xf32, #tpu.memory_space<hbm>> -> memref<1x1024xf32, #tpu.memory_space<hbm>>
    %dma_wait3A_127 = arith.constant 1 : i32
    %dma_wait3A_128 = arith.constant 0 : i32
    %dma_wait3A_129 = tpu.memref_slice %arg1[%dma_wait3A_127, %dma_wait3A_128] : memref<5x1024xf32, #tpu.memory_space<hbm>> -> memref<1x1024xf32, #tpu.memory_space<hbm>>
    tpu.wait_dma2 semaphore(%arg3 : memref<!tpu.dma_semaphore, #tpu.memory_space<semaphore_mem>>) src(%dma_wait3A_129 : memref<1x1024xf32, #tpu.memory_space<hbm>>) dst(%dma_wait3A_126 : memref<1x1024xf32, #tpu.memory_space<hbm>>)
    %dma_wait3A_130 = arith.constant 6 : i32
    %dma_wait3A_131 = arith.constant 0 : i32
    %dma_wait3A_132 = tpu.memref_slice %arg2[%dma_wait3A_130, %dma_wait3A_131] : memref<16x1024xf32, #tpu.memory_space<hbm>> -> memref<1x1024xf32, #tpu.memory_space<hbm>>
    %dma_wait3A_133 = arith.constant 3 : i32
    %dma_wait3A_134 = arith.constant 0 : i32
    %dma_wait3A_135 = tpu.memref_slice %arg1[%dma_wait3A_133, %dma_wait3A_134] : memref<5x1024xf32, #tpu.memory_space<hbm>> -> memref<1x1024xf32, #tpu.memory_space<hbm>>
    tpu.wait_dma2 semaphore(%arg3 : memref<!tpu.dma_semaphore, #tpu.memory_space<semaphore_mem>>) src(%dma_wait3A_135 : memref<1x1024xf32, #tpu.memory_space<hbm>>) dst(%dma_wait3A_132 : memref<1x1024xf32, #tpu.memory_space<hbm>>)
    %dma_wait3A_136 = arith.constant 7 : i32
    %dma_wait3A_137 = arith.constant 0 : i32
    %dma_wait3A_138 = tpu.memref_slice %arg2[%dma_wait3A_136, %dma_wait3A_137] : memref<16x1024xf32, #tpu.memory_space<hbm>> -> memref<1x1024xf32, #tpu.memory_space<hbm>>
    %dma_wait3A_139 = arith.constant 3 : i32
    %dma_wait3A_140 = arith.constant 0 : i32
    %dma_wait3A_141 = tpu.memref_slice %arg1[%dma_wait3A_139, %dma_wait3A_140] : memref<5x1024xf32, #tpu.memory_space<hbm>> -> memref<1x1024xf32, #tpu.memory_space<hbm>>
    tpu.wait_dma2 semaphore(%arg3 : memref<!tpu.dma_semaphore, #tpu.memory_space<semaphore_mem>>) src(%dma_wait3A_141 : memref<1x1024xf32, #tpu.memory_space<hbm>>) dst(%dma_wait3A_138 : memref<1x1024xf32, #tpu.memory_space<hbm>>)
    %dma_wait3A_142 = arith.constant 8 : i32
    %dma_wait3A_143 = arith.constant 0 : i32
    %dma_wait3A_144 = tpu.memref_slice %arg2[%dma_wait3A_142, %dma_wait3A_143] : memref<16x1024xf32, #tpu.memory_space<hbm>> -> memref<1x1024xf32, #tpu.memory_space<hbm>>
    %dma_wait3A_145 = arith.constant 3 : i32
    %dma_wait3A_146 = arith.constant 0 : i32
    %dma_wait3A_147 = tpu.memref_slice %arg1[%dma_wait3A_145, %dma_wait3A_146] : memref<5x1024xf32, #tpu.memory_space<hbm>> -> memref<1x1024xf32, #tpu.memory_space<hbm>>
    tpu.wait_dma2 semaphore(%arg3 : memref<!tpu.dma_semaphore, #tpu.memory_space<semaphore_mem>>) src(%dma_wait3A_147 : memref<1x1024xf32, #tpu.memory_space<hbm>>) dst(%dma_wait3A_144 : memref<1x1024xf32, #tpu.memory_space<hbm>>)
    %dma_wait3A_148 = arith.constant 9 : i32
    %dma_wait3A_149 = arith.constant 0 : i32
    %dma_wait3A_150 = tpu.memref_slice %arg2[%dma_wait3A_148, %dma_wait3A_149] : memref<16x1024xf32, #tpu.memory_space<hbm>> -> memref<1x1024xf32, #tpu.memory_space<hbm>>
    %dma_wait3A_151 = arith.constant 3 : i32
    %dma_wait3A_152 = arith.constant 0 : i32
    %dma_wait3A_153 = tpu.memref_slice %arg1[%dma_wait3A_151, %dma_wait3A_152] : memref<5x1024xf32, #tpu.memory_space<hbm>> -> memref<1x1024xf32, #tpu.memory_space<hbm>>
    tpu.wait_dma2 semaphore(%arg3 : memref<!tpu.dma_semaphore, #tpu.memory_space<semaphore_mem>>) src(%dma_wait3A_153 : memref<1x1024xf32, #tpu.memory_space<hbm>>) dst(%dma_wait3A_150 : memref<1x1024xf32, #tpu.memory_space<hbm>>)
    %dma_wait3A_154 = arith.constant 10 : i32
    %dma_wait3A_155 = arith.constant 0 : i32
    %dma_wait3A_156 = tpu.memref_slice %arg2[%dma_wait3A_154, %dma_wait3A_155] : memref<16x1024xf32, #tpu.memory_space<hbm>> -> memref<1x1024xf32, #tpu.memory_space<hbm>>
    %dma_wait3A_157 = arith.constant 3 : i32
    %dma_wait3A_158 = arith.constant 0 : i32
    %dma_wait3A_159 = tpu.memref_slice %arg1[%dma_wait3A_157, %dma_wait3A_158] : memref<5x1024xf32, #tpu.memory_space<hbm>> -> memref<1x1024xf32, #tpu.memory_space<hbm>>
    tpu.wait_dma2 semaphore(%arg3 : memref<!tpu.dma_semaphore, #tpu.memory_space<semaphore_mem>>) src(%dma_wait3A_159 : memref<1x1024xf32, #tpu.memory_space<hbm>>) dst(%dma_wait3A_156 : memref<1x1024xf32, #tpu.memory_space<hbm>>)
    %dma_wait3A_160 = arith.constant 11 : i32
    %dma_wait3A_161 = arith.constant 0 : i32
    %dma_wait3A_162 = tpu.memref_slice %arg2[%dma_wait3A_160, %dma_wait3A_161] : memref<16x1024xf32, #tpu.memory_space<hbm>> -> memref<1x1024xf32, #tpu.memory_space<hbm>>
    %dma_wait3A_163 = arith.constant 3 : i32
    %dma_wait3A_164 = arith.constant 0 : i32
    %dma_wait3A_165 = tpu.memref_slice %arg1[%dma_wait3A_163, %dma_wait3A_164] : memref<5x1024xf32, #tpu.memory_space<hbm>> -> memref<1x1024xf32, #tpu.memory_space<hbm>>
    tpu.wait_dma2 semaphore(%arg3 : memref<!tpu.dma_semaphore, #tpu.memory_space<semaphore_mem>>) src(%dma_wait3A_165 : memref<1x1024xf32, #tpu.memory_space<hbm>>) dst(%dma_wait3A_162 : memref<1x1024xf32, #tpu.memory_space<hbm>>)
    %dma_wait3A_166 = arith.constant 12 : i32
    %dma_wait3A_167 = arith.constant 0 : i32
    %dma_wait3A_168 = tpu.memref_slice %arg2[%dma_wait3A_166, %dma_wait3A_167] : memref<16x1024xf32, #tpu.memory_space<hbm>> -> memref<1x1024xf32, #tpu.memory_space<hbm>>
    %dma_wait3A_169 = arith.constant 3 : i32
    %dma_wait3A_170 = arith.constant 0 : i32
    %dma_wait3A_171 = tpu.memref_slice %arg1[%dma_wait3A_169, %dma_wait3A_170] : memref<5x1024xf32, #tpu.memory_space<hbm>> -> memref<1x1024xf32, #tpu.memory_space<hbm>>
    tpu.wait_dma2 semaphore(%arg3 : memref<!tpu.dma_semaphore, #tpu.memory_space<semaphore_mem>>) src(%dma_wait3A_171 : memref<1x1024xf32, #tpu.memory_space<hbm>>) dst(%dma_wait3A_168 : memref<1x1024xf32, #tpu.memory_space<hbm>>)
    %dma_wait3A_172 = arith.constant 13 : i32
    %dma_wait3A_173 = arith.constant 0 : i32
    %dma_wait3A_174 = tpu.memref_slice %arg2[%dma_wait3A_172, %dma_wait3A_173] : memref<16x1024xf32, #tpu.memory_space<hbm>> -> memref<1x1024xf32, #tpu.memory_space<hbm>>
    %dma_wait3A_175 = arith.constant 3 : i32
    %dma_wait3A_176 = arith.constant 0 : i32
    %dma_wait3A_177 = tpu.memref_slice %arg1[%dma_wait3A_175, %dma_wait3A_176] : memref<5x1024xf32, #tpu.memory_space<hbm>> -> memref<1x1024xf32, #tpu.memory_space<hbm>>
    tpu.wait_dma2 semaphore(%arg3 : memref<!tpu.dma_semaphore, #tpu.memory_space<semaphore_mem>>) src(%dma_wait3A_177 : memref<1x1024xf32, #tpu.memory_space<hbm>>) dst(%dma_wait3A_174 : memref<1x1024xf32, #tpu.memory_space<hbm>>)
    %dma_wait3A_178 = arith.constant 14 : i32
    %dma_wait3A_179 = arith.constant 0 : i32
    %dma_wait3A_180 = tpu.memref_slice %arg2[%dma_wait3A_178, %dma_wait3A_179] : memref<16x1024xf32, #tpu.memory_space<hbm>> -> memref<1x1024xf32, #tpu.memory_space<hbm>>
    %dma_wait3A_181 = arith.constant 3 : i32
    %dma_wait3A_182 = arith.constant 0 : i32
    %dma_wait3A_183 = tpu.memref_slice %arg1[%dma_wait3A_181, %dma_wait3A_182] : memref<5x1024xf32, #tpu.memory_space<hbm>> -> memref<1x1024xf32, #tpu.memory_space<hbm>>
    tpu.wait_dma2 semaphore(%arg3 : memref<!tpu.dma_semaphore, #tpu.memory_space<semaphore_mem>>) src(%dma_wait3A_183 : memref<1x1024xf32, #tpu.memory_space<hbm>>) dst(%dma_wait3A_180 : memref<1x1024xf32, #tpu.memory_space<hbm>>)
    %dma_wait3A_184 = arith.constant 15 : i32
    %dma_wait3A_185 = arith.constant 0 : i32
    %dma_wait3A_186 = tpu.memref_slice %arg2[%dma_wait3A_184, %dma_wait3A_185] : memref<16x1024xf32, #tpu.memory_space<hbm>> -> memref<1x1024xf32, #tpu.memory_space<hbm>>
    %dma_wait3A_187 = arith.constant 3 : i32
    %dma_wait3A_188 = arith.constant 0 : i32
    %dma_wait3A_189 = tpu.memref_slice %arg1[%dma_wait3A_187, %dma_wait3A_188] : memref<5x1024xf32, #tpu.memory_space<hbm>> -> memref<1x1024xf32, #tpu.memory_space<hbm>>
    tpu.wait_dma2 semaphore(%arg3 : memref<!tpu.dma_semaphore, #tpu.memory_space<semaphore_mem>>) src(%dma_wait3A_189 : memref<1x1024xf32, #tpu.memory_space<hbm>>) dst(%dma_wait3A_186 : memref<1x1024xf32, #tpu.memory_space<hbm>>)
    return
  }
}

module attributes {stable_mosaic.version = 14 : i64} {
  func.func @body(%arg0: i32, %arg1: memref<5x1024xf32, #tpu.memory_space<vmem>>, %arg2: memref<1024x1x1024xf32, #tpu.memory_space<vmem>>) attributes {dimension_semantics = [#tpu.dimension_semantics<arbitrary>], iteration_bounds = array<i64: 2>, scalar_prefetch = 0 : i64, scratch_operands = 0 : i64, tpu.core_type = #tpu.core_type<tc>, window_params = [{pipeline_mode = #tpu.pipeline_mode<synchronous>, transform_indices = @transform_0, window_bounds = array<i64: 5, 1024>}, {transform_indices = @transform_1, window_bounds = array<i64: 1024, 1, 1024>}]} {
    %get3A = arith.constant 3 : index
    %get3A_0 = arith.constant 0 : index
    %get3A_1 = vector.load %arg1[%get3A, %get3A_0] : memref<5x1024xf32, #tpu.memory_space<vmem>>, vector<1x1024xf32>
    %get3A_2 = vector.shape_cast %get3A_1 : vector<1x1024xf32> to vector<1024xf32>
    %broadcast_in_dim3A = vector.shape_cast %get3A_2 : vector<1024xf32> to vector<1x1x1024xf32>
    %broadcast_in_dim3A_3 = vector.shape_cast %broadcast_in_dim3A : vector<1x1x1024xf32> to vector<1x1x1024xf32>
    %broadcast_in_dim3A_4 = vector.broadcast %broadcast_in_dim3A_3 : vector<1x1x1024xf32> to vector<1024x1x1024xf32>
    %swap3A = arith.constant 0 : index
    %swap3A_5 = arith.constant 0 : index
    %swap3A_6 = arith.constant 0 : index
    %swap3A_7 = vector.load %arg2[%swap3A, %swap3A_5, %swap3A_6] : memref<1024x1x1024xf32, #tpu.memory_space<vmem>>, vector<1024x1x1024xf32>
    tpu.vector_store %arg2[%swap3A, %swap3A_5, %swap3A_6], %broadcast_in_dim3A_4 {strides = array<i32>} : memref<1024x1x1024xf32, #tpu.memory_space<vmem>>, vector<1024x1x1024xf32>,
    return
  }
  func.func @transform_0(%arg0: i32) -> (i32, i32) {
    %c0_i32 = arith.constant 0 : i32
    %c0_i32_0 = arith.constant 0 : i32
    %c0_i32_1 = arith.constant 0 : i32
    return %c0_i32, %c0_i32_0 : i32, i32
  }
  func.func @transform_1(%arg0: i32) -> (i32, i32, i32) {
    %c0_i32 = arith.constant 0 : i32
    %c0_i32_0 = arith.constant 0 : i32
    %c0_i32_1 = arith.constant 0 : i32
    return %arg0, %c0_i32, %c0_i32_0 : i32, i32, i32
  }
}

module attributes {stable_mosaic.version = 14 : i64} {
  func.func @body(%arg0: i32, %arg1: memref<16x1x1024xf32, #tpu.memory_space<vmem>>, %arg2: memref<16x1024xf32, #tpu.memory_space<vmem>>, %arg3: memref<16x1x1024xf32, #tpu.memory_space<vmem>>) attributes {dimension_semantics = [#tpu.dimension_semantics<arbitrary>], iteration_bounds = array<i64: 1>, scalar_prefetch = 0 : i64, scratch_operands = 0 : i64, tpu.core_type = #tpu.core_type<tc>, window_params = [{transform_indices = @transform_0, window_bounds = array<i64: 16, 1, 1024>}, {pipeline_mode = #tpu.pipeline_mode<synchronous>, transform_indices = @transform_1, window_bounds = array<i64: 16, 1024>}, {transform_indices = @transform_2, window_bounds = array<i64: 16, 1, 1024>}]} {
    %get3A = arith.constant 0 : index
    %get3A_0 = arith.constant 0 : index
    %get3A_1 = vector.load %arg2[%get3A, %get3A_0] : memref<16x1024xf32, #tpu.memory_space<vmem>>, vector<16x1024xf32>
    %broadcast_in_dim3A = vector.shape_cast %get3A_1 : vector<16x1024xf32> to vector<16x1x1024xf32>
    %swap3A = arith.constant 0 : index
    %swap3A_2 = arith.constant 0 : index
    %swap3A_3 = arith.constant 0 : index
    %swap3A_4 = vector.load %arg3[%swap3A, %swap3A_2, %swap3A_3] : memref<16x1x1024xf32, #tpu.memory_space<vmem>>, vector<16x1x1024xf32>
    tpu.vector_store %arg3[%swap3A, %swap3A_2, %swap3A_3], %broadcast_in_dim3A {strides = array<i32>} : memref<16x1x1024xf32, #tpu.memory_space<vmem>>, vector<16x1x1024xf32>,
    return
  }
  func.func @transform_0(%arg0: i32) -> (i32, i32, i32) {
    %c0_i32 = arith.constant 0 : i32
    %c0_i32_0 = arith.constant 0 : i32
    %c0_i32_1 = arith.constant 0 : i32
    %c0_i32_2 = arith.constant 0 : i32
    return %c0_i32, %c0_i32_0, %c0_i32_1 : i32, i32, i32
  }
  func.func @transform_1(%arg0: i32) -> (i32, i32) {
    %c0_i32 = arith.constant 0 : i32
    %c0_i32_0 = arith.constant 0 : i32
    %c0_i32_1 = arith.constant 0 : i32
    return %c0_i32, %c0_i32_0 : i32, i32
  }
  func.func @transform_2(%arg0: i32) -> (i32, i32, i32) {
    %c0_i32 = arith.constant 0 : i32
    %c0_i32_0 = arith.constant 0 : i32
    %c0_i32_1 = arith.constant 0 : i32
    %c0_i32_2 = arith.constant 0 : i32
    return %c0_i32, %c0_i32_0, %c0_i32_1 : i32, i32, i32
  }
}

</mosaic_0001>

<sc_bundles>
// kernel: kernel.5.cloned.1.call-start
scs
__scs_entry_jumppad:
0x0: {  	(pc) =	sbr.rel $0x88, $3  }
0x1: {  	(tag) =	ssettag $0x0;
	lr =	simm.s32 $0x1  }
0x2: {  	[smem:$0x3FA0] =	sst lr;
	_ =	strace $0xD0000000  }
0x3: {  	_ = 	snop  }
0x4: {  	_ = 	snop  }
0x5: {  	_ = 	snop  }
0x6: {  	_ = 	snop  }
0x7: {  	_ = 	snop  }
__scs_overlays_trampoline_lowered:
0x8: {  	[smem:$0x3FAF] =	sst s0  }
0x9: {  	[smem:$0x3FB0] =	sst s1  }
0xa: {  	[smem:$0x3FB1] =	sst s2  }
0xb: {  	[smem:$0x3FB2] =	sst s3  }
0xc: {  	[smem:$0x3FB3] =	sst s4  }
0xd: {  	[smem:$0x3FB4] =	sst s5  }
0xe: {  	[smem:$0x3FB5] =	sst s6  }
0xf: {  	[smem:$0x3FB6] =	sst s7  }
0x10: {  	[smem:$0x3FB7] =	sst s8  }
0x11: {  	[smem:$0x3FB8] =	sst s9;
	s0 =	simm.s32 @!p0 $0x0  }
0x12: {  	s1 =	sld [smem:$0x3F9E];
	s0 =	simm.s32 @p0 $0x1  }
0x13: {  	[smem:$0x3FB9] =	sst s0;
	s0 =	simm.s32 @!p1 $0x0  }
0x14: {  	s2 =	sld [smem:$0x3F9D];
	s0 =	simm.s32 @p1 $0x1  }
0x15: {  	[smem:$0x3FBA] =	sst s0;
	s0 =	simm.s32 @!p2 $0x0  }
0x16: {  	s3 =	sld [smem:$0x3FDB];
	s0 =	simm.s32 @p2 $0x1  }
0x17: {  	s4 =	simm.s32 $0x1BF5;
	[smem:$0x3FBC] =	sst s0  }
0x18: {  	s0 =	sld [smem:$0x3F9F];
	_ =	swait.ge [sflag:s4], $0x0  }
0x19: {  	s7 =	sld [smem:$0x3FA0]  }
0x1a: {  	s8 =	sadd.s32 $0xFFFFE003, lr  }
0x1b: {  	s9 =	sadd.s32 $0xFFFFFEF7, lr;
	s5 =	simm.s32 $0xFFFFFFFF;
	p2 =	slt.u32 s8, $0xFFFFF086  }
0x1c: {  	p1 =	slt.u32 s9, $0xF7A;
	s5 =	simm.s32 @!p2 $0x0  }
0x1d: {  	s5 =	simm.s32 @p1 $0x1;
	p0 =	seq.s32 s7, s2  }
0x1e: {  	s7 =	smul.u32 @!p0 $0xF7A, s2;
	p2 =	seq.s32 @!p0 s5, $0x0  }
0x1f: {  	s9 =	smul.u32 $0xF7A, s1;
	s8 =	simm.s32 @!p0 $0x1BF5;
	p2 =	por !p2, p0  }
0x20: {  	[sflag:s8] =	ssyncset.s32 @!p0 $0xFFFFF086;
	s6 =	sadd.s32 @!p0 s3, s7;
	s7 =	simm.s32 @!p0 $0x108  }
0x21: {  	s3 =	sadd.s32 s3, s9;
	s6 =	sadd.s32 @!p0 $0x88, s6;
	s7 =	simm.s32 @p2 $0x1082  }
0x22: {  	[simem:s7], [sflag:s8] =	dma.local @!p0 [hbm:s6], $0xF7A  }
0x23: {  	s9 =	sor.u32 $0xD0000000, s2;
	s6 =	simm.s32 $0x108;
	_ =	swait.ge @!p0 [sflag:s8], $0x0  }
0x24: {  	s3 =	sadd.s32 $0x88, s3;
	s6 =	simm.s32 @!p1 $0x1082;
	[sflag:s4] =	ssyncset.s32 $0xFFFFF086  }
0x25: {  	[simem:s6], [sflag:s4] =	dma.local [hbm:s3], $0xF7A  }
0x26: {  	[smem:$0x3FA0] =	sst s1;
	(tag) =	ssettag s2;
	_ =	strace s9  }
0x27: {  	s1 =	sld [smem:$0x3FB0]  }
0x28: {  	s2 =	sld [smem:$0x3FB1]  }
0x29: {  	s4 =	sld [smem:$0x3FB3]  }
0x2a: {  	p0 =	seq.s32 s5, $0x0;
	s5 =	sld [smem:$0x3FB4]  }
0x2b: {  	s6 =	sld [smem:$0x3FB5]  }
0x2c: {  	s7 =	sld [smem:$0x3FB6]  }
0x2d: {  	s3 =	simm.s32 $0x108;
	s8 =	sld [smem:$0x3FB7]  }
0x2e: {  	s3 =	simm.s32 @!p0 $0x1082;
	s9 =	sld [smem:$0x3FB8]  }
0x2f: {  	lr =	sadd.s32 s0, s3;
	s0 =	sld [smem:$0x3FAF]  }
0x30: {  	s3 =	sld [smem:$0x3FB2]  }
0x31: {  	[smem:$0x3FBB] =	sst s10  }
0x32: {  	s10 =	sld [smem:$0x3FB9];
	_ =	sdelay $0x3  }
0x33: {  	p0 =	seq.s32 s10, $0x1;
	s10 =	sld [smem:$0x3FBB];
	_ =	sdelay $0x3  }
0x34: {  	[smem:$0x3FBB] =	sst s10  }
0x35: {  	s10 =	sld [smem:$0x3FBA];
	_ =	sdelay $0x3  }
0x36: {  	p1 =	seq.s32 s10, $0x1;
	s10 =	sld [smem:$0x3FBB];
	_ =	sdelay $0x3  }
0x37: {  	[smem:$0x3FBB] =	sst s10  }
0x38: {  	s10 =	sld [smem:$0x3FBC]  }
0x39: {  	_ = 	snop;
	(pc) =	sbr.ind lr, $3  }
0x3a: {  	_ = 	snop  }
0x3b: {  	_ = 	snop  }
0x3c: {  	p2 =	seq.s32 s10, $0x1;
	s10 =	sld [smem:$0x3FBB]  }
0x3d: {  	_ =	shalt  }
0x3e: {  	_ =	shalt  }
0x3f: {  	_ =	shalt  }
0x40: {  	_ =	shalt  }
0x41: {  	_ =	shalt  }
0x42: {  	_ =	shalt  }
0x43: {  	_ =	shalt  }
0x44: {  	_ =	shalt  }
0x45: {  	_ =	shalt  }
0x46: {  	_ =	shalt  }
0x47: {  	_ =	shalt  }
0x48: {  	_ =	shalt  }
0x49: {  	_ =	shalt  }
0x4a: {  	_ =	shalt  }
0x4b: {  	_ =	shalt  }
0x4c: {  	_ =	shalt  }
0x4d: {  	_ =	shalt  }
0x4e: {  	_ =	shalt  }
0x4f: {  	_ =	shalt  }
0x50: {  	_ =	shalt  }
0x51: {  	_ =	shalt  }
0x52: {  	_ =	shalt  }
0x53: {  	_ =	shalt  }
0x54: {  	_ =	shalt  }
0x55: {  	_ =	shalt  }
0x56: {  	_ =	shalt  }
0x57: {  	_ =	shalt  }
0x58: {  	_ =	shalt  }
0x59: {  	_ =	shalt  }
0x5a: {  	_ =	shalt  }
0x5b: {  	_ =	shalt  }
0x5c: {  	_ =	shalt  }
0x5d: {  	_ =	shalt  }
0x5e: {  	_ =	shalt  }
0x5f: {  	_ =	shalt  }
0x60: {  	_ =	shalt  }
0x61: {  	_ =	shalt  }
0x62: {  	_ =	shalt  }
0x63: {  	_ =	shalt  }
0x64: {  	_ =	shalt  }
0x65: {  	_ =	shalt  }
0x66: {  	_ =	shalt  }
0x67: {  	_ =	shalt  }
0x68: {  	_ =	shalt  }
0x69: {  	_ =	shalt  }
0x6a: {  	_ =	shalt  }
0x6b: {  	_ =	shalt  }
0x6c: {  	_ =	shalt  }
0x6d: {  	_ =	shalt  }
0x6e: {  	_ =	shalt  }
0x6f: {  	_ =	shalt  }
0x70: {  	_ =	shalt  }
0x71: {  	_ =	shalt  }
0x72: {  	_ =	shalt  }
0x73: {  	_ =	shalt  }
0x74: {  	_ =	shalt  }
0x75: {  	_ =	shalt  }
0x76: {  	_ =	shalt  }
0x77: {  	_ =	shalt  }
0x78: {  	_ =	shalt  }
0x79: {  	_ =	shalt  }
0x7a: {  	_ =	shalt  }
0x7b: {  	_ =	shalt  }
0x7c: {  	_ =	shalt  }
0x7d: {  	_ =	shalt  }
0x7e: {  	_ =	shalt  }
0x7f: {  	_ =	shalt  }
0x80: {  	_ =	shalt  }
0x81: {  	_ =	shalt  }
0x82: {  	_ =	shalt  }
0x83: {  	_ =	shalt  }
0x84: {  	_ =	shalt  }
0x85: {  	_ =	shalt  }
0x86: {  	_ =	shalt  }
0x87: {  	_ =	shalt  }
.Lfunc_end0:
.L_simem_size_0:
called_computation_lowered:
.L_overlay_start_0:
0x88: {  	s0 =	sld [smem:$0x3FD9]  }
0x89: {  	s1 =	sld [smem:$0x3FFE];
	_ =	sdelay $0x3  }
0x8a: {  	s0 =	sadd.s32 s1, s0  }
0x8b: {  	s8 =	simm.s32 $0x0;
	[smem:$0x3FC7] =	sst s0  }
0x8c: {  	[smem:$0xF] =	sst s8  }
0x8d: {  	s7 =	sld [smem:$0x3FC9];
	(tm) =	ssettm $0x1  }
0x8e: {  	s9 =	sld [smem:$0x3FFB];
	_ =	sdelay $0x3  }
0x8f: {  	_ =	strace s9  }
0x90: {  	s0 =	sld [smem:$0x3FFC];
	_ =	sdelay $0x3  }
0x91: {  	_ =	strace s0  }
0x92: {  	s0 =	sld [smem:$0x3FFD];
	_ =	sdelay $0x3  }
0x93: {  	_ =	strace s0  }
0x94: {  	s10 =	simm.s32 $0x1B8B;
	_ =	strace $0x8FFFFFFF  }
0x95: {  	_ =	swait.ge [sflag:s10], $0x1  }
0x96: {  	s2 =	sld [smem:$0x3FFE]  }
0x97: {  	s11 =	simm.s32 $0x1B8E;
	[sflag:s10] =	ssyncset.done $0x0  }
0x98: {  	s4 =	simm.s32 $0x1;
	s5 =	simm.s32 $0x80;
	[sflag:s10] =	ssyncadd.s32 $0xFFFFFFFF  }
0x99: {  	s12 =	simm.s32 $0x9;
	s13 =	sadd.s32 $0x10, s7;
	[smem:$0x3FD2] =	sst s11  }
0x9a: {  	s1 =	sadd.s32 $0x30, s7;
	_ =	strace $0x80000046;
	s3 =	sadd.s32 $0x800, s2  }
0x9b: {  	s6 =	sadd.s32 $0x810, s2;
	s14 =	sadd.s32 $0x820, s2;
	s15 =	sadd.s32 $0x830, s2  }
0x9c: {  	s16 =	sadd.s32 $0x840, s2;
	s17 =	sadd.s32 $0x850, s2;
	s18 =	sadd.s32 $0x860, s2  }
0x9d: {  	s19 =	sadd.s32 $0x870, s2;
	s20 =	sadd.s32 $0xC00, s2;
	s21 =	sadd.s32 $0xC10, s2  }
0x9e: {  	s22 =	sadd.s32 $0xC20, s2;
	s23 =	sadd.s32 $0xC30, s2;
	s24 =	sadd.s32 $0xC40, s2  }
0x9f: {  	s25 =	sadd.s32 $0xC50, s2;
	s26 =	sadd.s32 $0xC60, s2;
	s2 =	sadd.s32 $0xC70, s2  }
0xa0: {  	[hbm:s3@s5], [sflag:s12] =	dma.strided [hbm:s7@s5], $0x80, s4, $0x10   }
0xa1: {  	[hbm:s6@s5], [sflag:s12] =	dma.strided [hbm:s13@s5], $0x80, s4, $0x10   }
0xa2: {  	[hbm:s14@s5], [sflag:s12] =	dma.strided [hbm:s13@s5], $0x80, s4, $0x10   }
0xa3: {  	[hbm:s15@s5], [sflag:s12] =	dma.strided [hbm:s13@s5], $0x80, s4, $0x10   }
0xa4: {  	[hbm:s16@s5], [sflag:s12] =	dma.strided [hbm:s13@s5], $0x80, s4, $0x10   }
0xa5: {  	[hbm:s17@s5], [sflag:s12] =	dma.strided [hbm:s13@s5], $0x80, s4, $0x10   }
0xa6: {  	[hbm:s18@s5], [sflag:s12] =	dma.strided [hbm:s1@s5], $0x80, s4, $0x10   }
0xa7: {  	[hbm:s19@s5], [sflag:s12] =	dma.strided [hbm:s1@s5], $0x80, s4, $0x10   }
0xa8: {  	[hbm:s20@s5], [sflag:s12] =	dma.strided [hbm:s1@s5], $0x80, s4, $0x10   }
0xa9: {  	[hbm:s21@s5], [sflag:s12] =	dma.strided [hbm:s1@s5], $0x80, s4, $0x10   }
0xaa: {  	[hbm:s22@s5], [sflag:s12] =	dma.strided [hbm:s1@s5], $0x80, s4, $0x10   }
0xab: {  	[hbm:s23@s5], [sflag:s12] =	dma.strided [hbm:s1@s5], $0x80, s4, $0x10   }
0xac: {  	[hbm:s24@s5], [sflag:s12] =	dma.strided [hbm:s1@s5], $0x80, s4, $0x10   }
0xad: {  	[hbm:s25@s5], [sflag:s12] =	dma.strided [hbm:s1@s5], $0x80, s4, $0x10   }
0xae: {  	[hbm:s26@s5], [sflag:s12] =	dma.strided [hbm:s1@s5], $0x80, s4, $0x10   }
0xaf: {  	[hbm:s2@s5], [sflag:s12] =	dma.strided [hbm:s1@s5], $0x80, s4, $0x10   }
0xb0: {  	_ =	swait.ge [sflag:s12], $0x80  }
0xb1: {  	[sflag:s12] =	ssyncset.done $0x0  }
0xb2: {  	[sflag:s12] =	ssyncadd.s32 $0xFFFFFF80;
	_ =	sdelay $0x2  }
0xb3: {  	_ =	swait.ge [sflag:s12], $0x80  }
0xb4: {  	[sflag:s12] =	ssyncset.done $0x0  }
0xb5: {  	[sflag:s12] =	ssyncadd.s32 $0xFFFFFF80;
	_ =	sdelay $0x2  }
0xb6: {  	_ =	swait.ge [sflag:s12], $0x80  }
0xb7: {  	[sflag:s12] =	ssyncset.done $0x0  }
0xb8: {  	[sflag:s12] =	ssyncadd.s32 $0xFFFFFF80;
	_ =	sdelay $0x2  }
0xb9: {  	_ =	swait.ge [sflag:s12], $0x80  }
0xba: {  	[sflag:s12] =	ssyncset.done $0x0  }
0xbb: {  	[sflag:s12] =	ssyncadd.s32 $0xFFFFFF80;
	_ =	sdelay $0x2  }
0xbc: {  	_ =	swait.ge [sflag:s12], $0x80  }
0xbd: {  	[sflag:s12] =	ssyncset.done $0x0  }
0xbe: {  	[sflag:s12] =	ssyncadd.s32 $0xFFFFFF80;
	_ =	sdelay $0x2  }
0xbf: {  	_ =	swait.ge [sflag:s12], $0x80  }
0xc0: {  	[sflag:s12] =	ssyncset.done $0x0  }
0xc1: {  	[sflag:s12] =	ssyncadd.s32 $0xFFFFFF80;
	_ =	sdelay $0x2  }
0xc2: {  	_ =	swait.ge [sflag:s12], $0x80  }
0xc3: {  	[sflag:s12] =	ssyncset.done $0x0  }
0xc4: {  	[sflag:s12] =	ssyncadd.s32 $0xFFFFFF80;
	_ =	sdelay $0x2  }
0xc5: {  	_ =	swait.ge [sflag:s12], $0x80  }
0xc6: {  	[sflag:s12] =	ssyncset.done $0x0  }
0xc7: {  	[sflag:s12] =	ssyncadd.s32 $0xFFFFFF80;
	_ =	sdelay $0x2  }
0xc8: {  	_ =	swait.ge [sflag:s12], $0x80  }
0xc9: {  	[sflag:s12] =	ssyncset.done $0x0  }
0xca: {  	[sflag:s12] =	ssyncadd.s32 $0xFFFFFF80;
	_ =	sdelay $0x2  }
0xcb: {  	_ =	swait.ge [sflag:s12], $0x80  }
0xcc: {  	[sflag:s12] =	ssyncset.done $0x0  }
0xcd: {  	[sflag:s12] =	ssyncadd.s32 $0xFFFFFF80;
	_ =	sdelay $0x2  }
0xce: {  	_ =	swait.ge [sflag:s12], $0x80  }
0xcf: {  	[sflag:s12] =	ssyncset.done $0x0  }
0xd0: {  	[sflag:s12] =	ssyncadd.s32 $0xFFFFFF80;
	_ =	sdelay $0x2  }
0xd1: {  	_ =	swait.ge [sflag:s12], $0x80  }
0xd2: {  	[sflag:s12] =	ssyncset.done $0x0  }
0xd3: {  	[sflag:s12] =	ssyncadd.s32 $0xFFFFFF80;
	_ =	sdelay $0x2  }
0xd4: {  	_ =	swait.ge [sflag:s12], $0x80  }
0xd5: {  	[sflag:s12] =	ssyncset.done $0x0  }
0xd6: {  	[sflag:s12] =	ssyncadd.s32 $0xFFFFFF80;
	_ =	sdelay $0x2  }
0xd7: {  	_ =	swait.ge [sflag:s12], $0x80  }
0xd8: {  	[sflag:s12] =	ssyncset.done $0x0  }
0xd9: {  	[sflag:s12] =	ssyncadd.s32 $0xFFFFFF80;
	_ =	sdelay $0x2  }
0xda: {  	_ =	swait.ge [sflag:s12], $0x80  }
0xdb: {  	[sflag:s12] =	ssyncset.done $0x0  }
0xdc: {  	[sflag:s12] =	ssyncadd.s32 $0xFFFFFF80;
	_ =	sdelay $0x2  }
0xdd: {  	_ =	swait.ge [sflag:s12], $0x80  }
0xde: {  	[sflag:s12] =	ssyncset.done $0x0  }
0xdf: {  	[sflag:s12] =	ssyncadd.s32 $0xFFFFFF80  }
0xe0: {  	_ =	strace $0x90000046  }
0xe1: {  	_ =	sfence  }
0xe2: {  	s28 =	sld [smem:$0x0];
	_ =	sdelay $0x1  }
0xe3: {  	s29 =	srdreg.scid  }
0xe4: {  	s30 =	sshll.u32 s29, $0xD;
	s31 =	sshrl.u32 s29, $0x2  }
0xe5: {  	s1 =	sand.u32 $0x1, s29;
	s2 =	sand.u32 $0x4000, s30;
	s0 =	sadd.s32 s31, s28  }
0xe6: {  	s1 =	sor.u32 s2, s1;
	s0 =	sshll.u32 s0, $0x11  }
0xe7: {  	s0 =	sor.u32 s0, s1  }
0xe8: {  	s0 =	sadd.s32 $0x8F2B, s0;
	(pc) =	sbr.abs _section_cstart, $3  }
0xe9: {  	[sflag:s0] =	ssyncadd.remote.s32 $0x1  }
0xea: {  	_ =	strace $0x9FFFFFFF  }
0xeb: {  	(tm) =	ssettm $0x7FFFFFFF  }

</sc_bundles>
